<compile_context>
chip_gen: v7x
topology: tpu7x:2x2x1
jax: 0.10.2.dev20260603
libtpu: 0.0.44.dev20260713+nightly
codegen_flags: <defaults>
</compile_context>

<pallas_src>
import functools

import jax
import jax.numpy as jnp
from jax import lax
from jax.experimental import pallas as pl
from jax.experimental.pallas import tpu as pltpu
from jax.experimental.pallas import tpu_sc as plsc

B, S = 16384, 200
V, D = 1_000_000, 32
NC, NS = 2, 16
NW = NC * NS
BPW = B // NW

_mesh = plsc.VectorSubcoreMesh(core_axis_name="c", subcore_axis_name="s")


@functools.partial(
    pl.kernel,
    out_type=jax.ShapeDtypeStruct((S, B, D), jnp.float32),
    mesh=_mesh,
    scratch_types=[
        pltpu.VMEM((BPW,), jnp.int32),
        pltpu.VMEM((BPW,), jnp.int32),
        pltpu.VMEM((BPW, D), jnp.float32),
        pltpu.VMEM((BPW, D), jnp.float32),
        pltpu.SemaphoreType.DMA,
        pltpu.SemaphoreType.DMA,
        pltpu.SemaphoreType.DMA,
        pltpu.SemaphoreType.DMA,
        pltpu.SemaphoreType.DMA,
        pltpu.SemaphoreType.DMA,
    ],
    compiler_params=pltpu.CompilerParams(use_tc_tiling_on_sc=False),
)
def _gather(table_hbm, seqs_t_hbm, out_hbm,
            idx0, idx1, rows0, rows1, is0, is1, gs0, gs1, os0, os1):
    idx_v = (idx0, idx1)
    rows_v = (rows0, rows1)
    isem = (is0, is1)
    gsem = (gs0, gs1)
    osem = (os0, os1)

    wid = lax.axis_index("s") * NC + lax.axis_index("c")
    b0 = wid * BPW

    def idx_src(s):
        return seqs_t_hbm.at[s, pl.ds(b0, BPW)]

    def out_dst(s):
        return out_hbm.at[s, pl.ds(b0, BPW)]

    for p in range(2):
        pltpu.async_copy(idx_src(p), idx_v[p], isem[p])

    def pos_pair(sq, carry):
        for p in range(2):
            s = sq * 2 + p
            pltpu.make_async_copy(idx_src(s), idx_v[p], isem[p]).wait()

            @pl.when(sq > 0)
            def _():
                pltpu.make_async_copy(rows_v[p], out_dst(s), osem[p]).wait()

            pltpu.async_copy(
                table_hbm.at[idx_v[p]], rows_v[p], gsem[p]
            ).wait()

            pltpu.async_copy(rows_v[p], out_dst(s), osem[p])

            @pl.when(s + 2 < S)
            def _():
                pltpu.async_copy(idx_src(s + 2), idx_v[p], isem[p])
        return carry

    lax.fori_loop(0, S // 2, pos_pair, 0)

    for p in range(2):
        pltpu.make_async_copy(
            rows_v[p], out_dst(S - 2 + p), osem[p]
        ).wait()


def kernel(seqs, species, table):
    del species
    seqs_t = jnp.transpose(seqs).astype(jnp.int32)
    und_t = _gather(table, seqs_t)
    return und_t.transpose((1, 0, 2))

# --- scband reference (transcript-rebuilt; emitter-appended) ---
"""Pipeline reference for scband-input-seq-only-embedder-4681514352986 (READ-ONLY COPY).

The authoritative reference and input builder live on the scoring server;
editing this copy changes nothing except your own understanding.
"""

import jax, jax.numpy as jnp
import numpy as np

VOCAB = 1000000
EMB = 32
PAD_IDX = VOCAB - 1  # masking=False -> padding_idx = vocab_size - 1


def setup_inputs(seed: int = 0) -> dict:
    key = jax.random.key(seed)
    k1, k2, k3 = jax.random.split(key, 3)
    seqs = jax.random.randint(k1, (16384, 200), 0, VOCAB, dtype=jnp.int64 if jax.config.jax_enable_x64 else jnp.int32)
    species = jax.random.randint(k2, (16384,), 0, 10, dtype=jnp.int64 if jax.config.jax_enable_x64 else jnp.int32)
    table = jax.random.normal(k3, (VOCAB, EMB), dtype=jnp.float32)
    # nn.Embedding with padding_idx zeroes the padding row at init
    table = table.at[PAD_IDX].set(0.0)
    return {"seqs": seqs, "species": species, "table": table}


def reference(seqs, species, table):
    # seq_emb = self.vocab_emb(seqs); species is unused in forward
    seq_emb = jnp.take(table, seqs, axis=0)
    # original returns (seq_emb, None); return the array output
    return seq_emb

if __name__ == "__main__":
    import jax
    _d = setup_inputs()
    print(jax.jit(kernel)(*tuple(_d.values())))

</pallas_src>

<mosaic_0001>
#map = affine_map<(d0, d1) -> (0, 0)>
#map1 = affine_map<(d0, d1) -> (0, 0, 0)>
module attributes {stable_mosaic.version = 14 : i64} {
  func.func @_gather(%arg0: i32, %arg1: i32, %arg2: memref<1000000x32xf32, #tpu.memory_space<hbm>>, %arg3: memref<200x16384xi32, #tpu.memory_space<hbm>>, %arg4: memref<200x16384x32xf32, #tpu.memory_space<hbm>>, %arg5: memref<512xi32, #tpu.memory_space<vmem>>, %arg6: memref<512xi32, #tpu.memory_space<vmem>>, %arg7: memref<512x32xf32, #tpu.memory_space<vmem>>, %arg8: memref<512x32xf32, #tpu.memory_space<vmem>>, %arg9: memref<!tpu.dma_semaphore, #tpu.memory_space<semaphore_mem>>, %arg10: memref<!tpu.dma_semaphore, #tpu.memory_space<semaphore_mem>>, %arg11: memref<!tpu.dma_semaphore, #tpu.memory_space<semaphore_mem>>, %arg12: memref<!tpu.dma_semaphore, #tpu.memory_space<semaphore_mem>>, %arg13: memref<!tpu.dma_semaphore, #tpu.memory_space<semaphore_mem>>, %arg14: memref<!tpu.dma_semaphore, #tpu.memory_space<semaphore_mem>>) attributes {dimension_semantics = [#tpu.dimension_semantics<core_parallel>, #tpu.dimension_semantics<subcore_parallel>], iteration_bounds = array<i64: 2, 16>, scalar_prefetch = 0 : i64, scratch_operands = 10 : i64, tpu.core_type = #tpu.core_type<sc_vector_subcore>, window_params = [{transform_indices = #map}, {transform_indices = #map}, {transform_indices = #map1}]} {
    %mul3A = arith.constant 2 : i32
    %mul3A_0 = arith.muli %arg1, %mul3A : i32
    %add3A = arith.addi %mul3A_0, %arg0 : i32
    %mul3A_1 = arith.constant 512 : i32
    %mul3A_2 = arith.muli %add3A, %mul3A_1 : i32
    %dma_start3A = arith.constant 0 : i32
    %dma_start3A_3 = tpu.memref_slice %arg3[%dma_start3A, %mul3A_2] : memref<200x16384xi32, #tpu.memory_space<hbm>> -> memref<1x512xi32, #tpu.memory_space<hbm>>
    %dma_start3A_4 = tpu.memref_squeeze %dma_start3A_3 : memref<1x512xi32, #tpu.memory_space<hbm>> -> memref<512xi32, #tpu.memory_space<hbm>>
    %dma_start3A_5 = tpu.memref_slice %arg3[%dma_start3A, %mul3A_2] : memref<200x16384xi32, #tpu.memory_space<hbm>> -> memref<1x512xi32, #tpu.memory_space<hbm>>
    %dma_start3A_6 = tpu.memref_squeeze %dma_start3A_5 : memref<1x512xi32, #tpu.memory_space<hbm>> -> memref<512xi32, #tpu.memory_space<hbm>>
    tpu.enqueue_dma source(%dma_start3A_6 : memref<512xi32, #tpu.memory_space<hbm>>) target(%arg5 : memref<512xi32, #tpu.memory_space<vmem>>) target_semaphore(%arg9 : memref<!tpu.dma_semaphore, #tpu.memory_space<semaphore_mem>>)
    %dma_start3A_7 = arith.constant 1 : i32
    %dma_start3A_8 = tpu.memref_slice %arg3[%dma_start3A_7, %mul3A_2] : memref<200x16384xi32, #tpu.memory_space<hbm>> -> memref<1x512xi32, #tpu.memory_space<hbm>>
    %dma_start3A_9 = tpu.memref_squeeze %dma_start3A_8 : memref<1x512xi32, #tpu.memory_space<hbm>> -> memref<512xi32, #tpu.memory_space<hbm>>
    %dma_start3A_10 = tpu.memref_slice %arg3[%dma_start3A_7, %mul3A_2] : memref<200x16384xi32, #tpu.memory_space<hbm>> -> memref<1x512xi32, #tpu.memory_space<hbm>>
    %dma_start3A_11 = tpu.memref_squeeze %dma_start3A_10 : memref<1x512xi32, #tpu.memory_space<hbm>> -> memref<512xi32, #tpu.memory_space<hbm>>
    tpu.enqueue_dma source(%dma_start3A_11 : memref<512xi32, #tpu.memory_space<hbm>>) target(%arg6 : memref<512xi32, #tpu.memory_space<vmem>>) target_semaphore(%arg10 : memref<!tpu.dma_semaphore, #tpu.memory_space<semaphore_mem>>)
    %scan3A = arith.constant 0 : i32
    %scan3A_12 = arith.constant 0 : i32
    %scan3A_13 = arith.constant 100 : i32
    %scan3A_14 = arith.addi %scan3A_12, %scan3A_13 : i32
    %scan3A_15 = arith.constant 1 : i32
    scf.for %scan3A_30 = %scan3A_12 to %scan3A_14 step %scan3A_15  : i32 {
      %mul3A_31 = arith.constant 2 : i32
      %mul3A_32 = arith.muli %scan3A_30, %mul3A_31 : i32
      %add3A_33 = arith.constant 0 : i32
      %add3A_34 = arith.addi %mul3A_32, %add3A_33 : i32
      %dma_wait3A_35 = tpu.memref_slice %arg3[%add3A_34, %mul3A_2] : memref<200x16384xi32, #tpu.memory_space<hbm>> -> memref<1x512xi32, #tpu.memory_space<hbm>>
      %dma_wait3A_36 = tpu.memref_squeeze %dma_wait3A_35 : memref<1x512xi32, #tpu.memory_space<hbm>> -> memref<512xi32, #tpu.memory_space<hbm>>
      %dma_wait3A_37 = tpu.memref_slice %arg3[%add3A_34, %mul3A_2] : memref<200x16384xi32, #tpu.memory_space<hbm>> -> memref<1x512xi32, #tpu.memory_space<hbm>>
      %dma_wait3A_38 = tpu.memref_squeeze %dma_wait3A_37 : memref<1x512xi32, #tpu.memory_space<hbm>> -> memref<512xi32, #tpu.memory_space<hbm>>
      tpu.wait_dma2 semaphore(%arg9 : memref<!tpu.dma_semaphore, #tpu.memory_space<semaphore_mem>>) src(%dma_wait3A_38 : memref<512xi32, #tpu.memory_space<hbm>>) dst(%arg5 : memref<512xi32, #tpu.memory_space<vmem>>)
      %gt3A = arith.constant 0 : i32
      %gt3A_39 = arith.cmpi sgt, %scan3A_30, %gt3A : i32
      %convert_element_type3A = arith.extui %gt3A_39 : i1 to i32
      %cond3A = arith.constant 0 : i32
      %cond3A_40 = arith.cmpi ne, %convert_element_type3A, %cond3A : i32
      scf.if %cond3A_40 {
        %dma_wait3A_91 = arith.constant 0 : i32
        %dma_wait3A_92 = tpu.memref_slice %arg4[%add3A_34, %mul3A_2, %dma_wait3A_91] : memref<200x16384x32xf32, #tpu.memory_space<hbm>> -> memref<1x512x32xf32, #tpu.memory_space<hbm>>
        %dma_wait3A_93 = tpu.memref_squeeze %dma_wait3A_92 : memref<1x512x32xf32, #tpu.memory_space<hbm>> -> memref<512x32xf32, #tpu.memory_space<hbm>>
        %dma_wait3A_94 = arith.constant 0 : i32
        %dma_wait3A_95 = tpu.memref_slice %arg4[%add3A_34, %mul3A_2, %dma_wait3A_94] : memref<200x16384x32xf32, #tpu.memory_space<hbm>> -> memref<1x512x32xf32, #tpu.memory_space<hbm>>
        %dma_wait3A_96 = tpu.memref_squeeze %dma_wait3A_95 : memref<1x512x32xf32, #tpu.memory_space<hbm>> -> memref<512x32xf32, #tpu.memory_space<hbm>>
        tpu.wait_dma2 semaphore(%arg13 : memref<!tpu.dma_semaphore, #tpu.memory_space<semaphore_mem>>) src(%arg7 : memref<512x32xf32, #tpu.memory_space<vmem>>) dst(%dma_wait3A_96 : memref<512x32xf32, #tpu.memory_space<hbm>>)
      } else {
      }
      %dma_start3A_41 = arith.constant 0 : i32
      %dma_start3A_42 = arith.constant 0 : i32
      %dma_start3A_43 = tpu.memref_slice %arg2[%dma_start3A_41, %dma_start3A_42] : memref<1000000x32xf32, #tpu.memory_space<hbm>> -> memref<1000000x32xf32, #tpu.memory_space<hbm>>
      tpu.enqueue_indirect_dma source(%dma_start3A_43 : memref<1000000x32xf32, #tpu.memory_space<hbm>>) target(%arg7 : memref<512x32xf32, #tpu.memory_space<vmem>>) offsets(%arg5 : memref<512xi32, #tpu.memory_space<vmem>>) semaphore(%arg11 : memref<!tpu.dma_semaphore, #tpu.memory_space<semaphore_mem>>)
      %dma_wait3A_44 = arith.constant 0 : i32
      %dma_wait3A_45 = arith.constant 0 : i32
      %dma_wait3A_46 = tpu.memref_slice %arg2[%dma_wait3A_44, %dma_wait3A_45] : memref<1000000x32xf32, #tpu.memory_space<hbm>> -> memref<1000000x32xf32, #tpu.memory_space<hbm>>
      tpu.wait_indirect_dma semaphore(%arg11 : memref<!tpu.dma_semaphore, #tpu.memory_space<semaphore_mem>>) src(%dma_wait3A_46 : memref<1000000x32xf32, #tpu.memory_space<hbm>>) dst(%arg7 : memref<512x32xf32, #tpu.memory_space<vmem>>)
      %dma_start3A_47 = arith.constant 0 : i32
      %dma_start3A_48 = tpu.memref_slice %arg4[%add3A_34, %mul3A_2, %dma_start3A_47] : memref<200x16384x32xf32, #tpu.memory_space<hbm>> -> memref<1x512x32xf32, #tpu.memory_space<hbm>>
      %dma_start3A_49 = tpu.memref_squeeze %dma_start3A_48 : memref<1x512x32xf32, #tpu.memory_space<hbm>> -> memref<512x32xf32, #tpu.memory_space<hbm>>
      %dma_start3A_50 = arith.constant 0 : i32
      %dma_start3A_51 = tpu.memref_slice %arg4[%add3A_34, %mul3A_2, %dma_start3A_50] : memref<200x16384x32xf32, #tpu.memory_space<hbm>> -> memref<1x512x32xf32, #tpu.memory_space<hbm>>
      %dma_start3A_52 = tpu.memref_squeeze %dma_start3A_51 : memref<1x512x32xf32, #tpu.memory_space<hbm>> -> memref<512x32xf32, #tpu.memory_space<hbm>>
      tpu.enqueue_dma source(%arg7 : memref<512x32xf32, #tpu.memory_space<vmem>>) target(%dma_start3A_52 : memref<512x32xf32, #tpu.memory_space<hbm>>) target_semaphore(%arg13 : memref<!tpu.dma_semaphore, #tpu.memory_space<semaphore_mem>>)
      %add3A_53 = arith.constant 2 : i32
      %add3A_54 = arith.addi %add3A_34, %add3A_53 : i32
      %lt3A = arith.constant 200 : i32
      %lt3A_55 = arith.cmpi slt, %add3A_54, %lt3A : i32
      %convert_element_type3A_56 = arith.extui %lt3A_55 : i1 to i32
      %cond3A_57 = arith.constant 0 : i32
      %cond3A_58 = arith.cmpi ne, %convert_element_type3A_56, %cond3A_57 : i32
      scf.if %cond3A_58 {
        %add3A_91 = arith.constant 2 : i32
        %add3A_92 = arith.addi %add3A_34, %add3A_91 : i32
        %dma_start3A_93 = tpu.memref_slice %arg3[%add3A_92, %mul3A_2] : memref<200x16384xi32, #tpu.memory_space<hbm>> -> memref<1x512xi32, #tpu.memory_space<hbm>>
        %dma_start3A_94 = tpu.memref_squeeze %dma_start3A_93 : memref<1x512xi32, #tpu.memory_space<hbm>> -> memref<512xi32, #tpu.memory_space<hbm>>
        %dma_start3A_95 = tpu.memref_slice %arg3[%add3A_92, %mul3A_2] : memref<200x16384xi32, #tpu.memory_space<hbm>> -> memref<1x512xi32, #tpu.memory_space<hbm>>
        %dma_start3A_96 = tpu.memref_squeeze %dma_start3A_95 : memref<1x512xi32, #tpu.memory_space<hbm>> -> memref<512xi32, #tpu.memory_space<hbm>>
        tpu.enqueue_dma source(%dma_start3A_96 : memref<512xi32, #tpu.memory_space<hbm>>) target(%arg5 : memref<512xi32, #tpu.memory_space<vmem>>) target_semaphore(%arg9 : memref<!tpu.dma_semaphore, #tpu.memory_space<semaphore_mem>>)
      } else {
      }
      %mul3A_59 = arith.constant 2 : i32
      %mul3A_60 = arith.muli %scan3A_30, %mul3A_59 : i32
      %add3A_61 = arith.constant 1 : i32
      %add3A_62 = arith.addi %mul3A_60, %add3A_61 : i32
      %dma_wait3A_63 = tpu.memref_slice %arg3[%add3A_62, %mul3A_2] : memref<200x16384xi32, #tpu.memory_space<hbm>> -> memref<1x512xi32, #tpu.memory_space<hbm>>
      %dma_wait3A_64 = tpu.memref_squeeze %dma_wait3A_63 : memref<1x512xi32, #tpu.memory_space<hbm>> -> memref<512xi32, #tpu.memory_space<hbm>>
      %dma_wait3A_65 = tpu.memref_slice %arg3[%add3A_62, %mul3A_2] : memref<200x16384xi32, #tpu.memory_space<hbm>> -> memref<1x512xi32, #tpu.memory_space<hbm>>
      %dma_wait3A_66 = tpu.memref_squeeze %dma_wait3A_65 : memref<1x512xi32, #tpu.memory_space<hbm>> -> memref<512xi32, #tpu.memory_space<hbm>>
      tpu.wait_dma2 semaphore(%arg10 : memref<!tpu.dma_semaphore, #tpu.memory_space<semaphore_mem>>) src(%dma_wait3A_66 : memref<512xi32, #tpu.memory_space<hbm>>) dst(%arg6 : memref<512xi32, #tpu.memory_space<vmem>>)
      %gt3A_67 = arith.constant 0 : i32
      %gt3A_68 = arith.cmpi sgt, %scan3A_30, %gt3A_67 : i32
      %convert_element_type3A_69 = arith.extui %gt3A_68 : i1 to i32
      %cond3A_70 = arith.constant 0 : i32
      %cond3A_71 = arith.cmpi ne, %convert_element_type3A_69, %cond3A_70 : i32
      scf.if %cond3A_71 {
        %dma_wait3A_91 = arith.constant 0 : i32
        %dma_wait3A_92 = tpu.memref_slice %arg4[%add3A_62, %mul3A_2, %dma_wait3A_91] : memref<200x16384x32xf32, #tpu.memory_space<hbm>> -> memref<1x512x32xf32, #tpu.memory_space<hbm>>
        %dma_wait3A_93 = tpu.memref_squeeze %dma_wait3A_92 : memref<1x512x32xf32, #tpu.memory_space<hbm>> -> memref<512x32xf32, #tpu.memory_space<hbm>>
        %dma_wait3A_94 = arith.constant 0 : i32
        %dma_wait3A_95 = tpu.memref_slice %arg4[%add3A_62, %mul3A_2, %dma_wait3A_94] : memref<200x16384x32xf32, #tpu.memory_space<hbm>> -> memref<1x512x32xf32, #tpu.memory_space<hbm>>
        %dma_wait3A_96 = tpu.memref_squeeze %dma_wait3A_95 : memref<1x512x32xf32, #tpu.memory_space<hbm>> -> memref<512x32xf32, #tpu.memory_space<hbm>>
        tpu.wait_dma2 semaphore(%arg14 : memref<!tpu.dma_semaphore, #tpu.memory_space<semaphore_mem>>) src(%arg8 : memref<512x32xf32, #tpu.memory_space<vmem>>) dst(%dma_wait3A_96 : memref<512x32xf32, #tpu.memory_space<hbm>>)
      } else {
      }
      %dma_start3A_72 = arith.constant 0 : i32
      %dma_start3A_73 = arith.constant 0 : i32
      %dma_start3A_74 = tpu.memref_slice %arg2[%dma_start3A_72, %dma_start3A_73] : memref<1000000x32xf32, #tpu.memory_space<hbm>> -> memref<1000000x32xf32, #tpu.memory_space<hbm>>
      tpu.enqueue_indirect_dma source(%dma_start3A_74 : memref<1000000x32xf32, #tpu.memory_space<hbm>>) target(%arg8 : memref<512x32xf32, #tpu.memory_space<vmem>>) offsets(%arg6 : memref<512xi32, #tpu.memory_space<vmem>>) semaphore(%arg12 : memref<!tpu.dma_semaphore, #tpu.memory_space<semaphore_mem>>)
      %dma_wait3A_75 = arith.constant 0 : i32
      %dma_wait3A_76 = arith.constant 0 : i32
      %dma_wait3A_77 = tpu.memref_slice %arg2[%dma_wait3A_75, %dma_wait3A_76] : memref<1000000x32xf32, #tpu.memory_space<hbm>> -> memref<1000000x32xf32, #tpu.memory_space<hbm>>
      tpu.wait_indirect_dma semaphore(%arg12 : memref<!tpu.dma_semaphore, #tpu.memory_space<semaphore_mem>>) src(%dma_wait3A_77 : memref<1000000x32xf32, #tpu.memory_space<hbm>>) dst(%arg8 : memref<512x32xf32, #tpu.memory_space<vmem>>)
      %dma_start3A_78 = arith.constant 0 : i32
      %dma_start3A_79 = tpu.memref_slice %arg4[%add3A_62, %mul3A_2, %dma_start3A_78] : memref<200x16384x32xf32, #tpu.memory_space<hbm>> -> memref<1x512x32xf32, #tpu.memory_space<hbm>>
      %dma_start3A_80 = tpu.memref_squeeze %dma_start3A_79 : memref<1x512x32xf32, #tpu.memory_space<hbm>> -> memref<512x32xf32, #tpu.memory_space<hbm>>
      %dma_start3A_81 = arith.constant 0 : i32
      %dma_start3A_82 = tpu.memref_slice %arg4[%add3A_62, %mul3A_2, %dma_start3A_81] : memref<200x16384x32xf32, #tpu.memory_space<hbm>> -> memref<1x512x32xf32, #tpu.memory_space<hbm>>
      %dma_start3A_83 = tpu.memref_squeeze %dma_start3A_82 : memref<1x512x32xf32, #tpu.memory_space<hbm>> -> memref<512x32xf32, #tpu.memory_space<hbm>>
      tpu.enqueue_dma source(%arg8 : memref<512x32xf32, #tpu.memory_space<vmem>>) target(%dma_start3A_83 : memref<512x32xf32, #tpu.memory_space<hbm>>) target_semaphore(%arg14 : memref<!tpu.dma_semaphore, #tpu.memory_space<semaphore_mem>>)
      %add3A_84 = arith.constant 2 : i32
      %add3A_85 = arith.addi %add3A_62, %add3A_84 : i32
      %lt3A_86 = arith.constant 200 : i32
      %lt3A_87 = arith.cmpi slt, %add3A_85, %lt3A_86 : i32
      %convert_element_type3A_88 = arith.extui %lt3A_87 : i1 to i32
      %cond3A_89 = arith.constant 0 : i32
      %cond3A_90 = arith.cmpi ne, %convert_element_type3A_88, %cond3A_89 : i32
      scf.if %cond3A_90 {
        %add3A_91 = arith.constant 2 : i32
        %add3A_92 = arith.addi %add3A_62, %add3A_91 : i32
        %dma_start3A_93 = tpu.memref_slice %arg3[%add3A_92, %mul3A_2] : memref<200x16384xi32, #tpu.memory_space<hbm>> -> memref<1x512xi32, #tpu.memory_space<hbm>>
        %dma_start3A_94 = tpu.memref_squeeze %dma_start3A_93 : memref<1x512xi32, #tpu.memory_space<hbm>> -> memref<512xi32, #tpu.memory_space<hbm>>
        %dma_start3A_95 = tpu.memref_slice %arg3[%add3A_92, %mul3A_2] : memref<200x16384xi32, #tpu.memory_space<hbm>> -> memref<1x512xi32, #tpu.memory_space<hbm>>
        %dma_start3A_96 = tpu.memref_squeeze %dma_start3A_95 : memref<1x512xi32, #tpu.memory_space<hbm>> -> memref<512xi32, #tpu.memory_space<hbm>>
        tpu.enqueue_dma source(%dma_start3A_96 : memref<512xi32, #tpu.memory_space<hbm>>) target(%arg6 : memref<512xi32, #tpu.memory_space<vmem>>) target_semaphore(%arg10 : memref<!tpu.dma_semaphore, #tpu.memory_space<semaphore_mem>>)
      } else {
      }
    }
    %scan3A_16 = arith.constant 100 : i32
    %dma_wait3A = arith.constant 198 : i32
    %dma_wait3A_17 = arith.constant 0 : i32
    %dma_wait3A_18 = tpu.memref_slice %arg4[%dma_wait3A, %mul3A_2, %dma_wait3A_17] : memref<200x16384x32xf32, #tpu.memory_space<hbm>> -> memref<1x512x32xf32, #tpu.memory_space<hbm>>
    %dma_wait3A_19 = tpu.memref_squeeze %dma_wait3A_18 : memref<1x512x32xf32, #tpu.memory_space<hbm>> -> memref<512x32xf32, #tpu.memory_space<hbm>>
    %dma_wait3A_20 = arith.constant 0 : i32
    %dma_wait3A_21 = tpu.memref_slice %arg4[%dma_wait3A, %mul3A_2, %dma_wait3A_20] : memref<200x16384x32xf32, #tpu.memory_space<hbm>> -> memref<1x512x32xf32, #tpu.memory_space<hbm>>
    %dma_wait3A_22 = tpu.memref_squeeze %dma_wait3A_21 : memref<1x512x32xf32, #tpu.memory_space<hbm>> -> memref<512x32xf32, #tpu.memory_space<hbm>>
    tpu.wait_dma2 semaphore(%arg13 : memref<!tpu.dma_semaphore, #tpu.memory_space<semaphore_mem>>) src(%arg7 : memref<512x32xf32, #tpu.memory_space<vmem>>) dst(%dma_wait3A_22 : memref<512x32xf32, #tpu.memory_space<hbm>>)
    %dma_wait3A_23 = arith.constant 199 : i32
    %dma_wait3A_24 = arith.constant 0 : i32
    %dma_wait3A_25 = tpu.memref_slice %arg4[%dma_wait3A_23, %mul3A_2, %dma_wait3A_24] : memref<200x16384x32xf32, #tpu.memory_space<hbm>> -> memref<1x512x32xf32, #tpu.memory_space<hbm>>
    %dma_wait3A_26 = tpu.memref_squeeze %dma_wait3A_25 : memref<1x512x32xf32, #tpu.memory_space<hbm>> -> memref<512x32xf32, #tpu.memory_space<hbm>>
    %dma_wait3A_27 = arith.constant 0 : i32
    %dma_wait3A_28 = tpu.memref_slice %arg4[%dma_wait3A_23, %mul3A_2, %dma_wait3A_27] : memref<200x16384x32xf32, #tpu.memory_space<hbm>> -> memref<1x512x32xf32, #tpu.memory_space<hbm>>
    %dma_wait3A_29 = tpu.memref_squeeze %dma_wait3A_28 : memref<1x512x32xf32, #tpu.memory_space<hbm>> -> memref<512x32xf32, #tpu.memory_space<hbm>>
    tpu.wait_dma2 semaphore(%arg14 : memref<!tpu.dma_semaphore, #tpu.memory_space<semaphore_mem>>) src(%arg8 : memref<512x32xf32, #tpu.memory_space<vmem>>) dst(%dma_wait3A_29 : memref<512x32xf32, #tpu.memory_space<hbm>>)
    return
  }
}

</mosaic_0001>

<sc_bundles>
// kernel: kernel.3.cloned.1.call-start
scs
__scs_entry_jumppad:
0x0: {  	(pc) =	sbr.rel $0x88, $3  }
0x1: {  	(tag) =	ssettag $0x0;
	lr =	simm.s32 $0x1  }
0x2: {  	[smem:$0x3F9F] =	sst lr;
	_ =	strace $0xD0000000  }
0x3: {  	_ = 	snop  }
0x4: {  	_ = 	snop  }
0x5: {  	_ = 	snop  }
0x6: {  	_ = 	snop  }
0x7: {  	_ = 	snop  }
__scs_overlays_trampoline_lowered:
0x8: {  	[smem:$0x3FAE] =	sst s0  }
0x9: {  	[smem:$0x3FAF] =	sst s1  }
0xa: {  	[smem:$0x3FB0] =	sst s2  }
0xb: {  	[smem:$0x3FB1] =	sst s3  }
0xc: {  	[smem:$0x3FB2] =	sst s4  }
0xd: {  	[smem:$0x3FB3] =	sst s5  }
0xe: {  	[smem:$0x3FB4] =	sst s6  }
0xf: {  	[smem:$0x3FB5] =	sst s7  }
0x10: {  	[smem:$0x3FB6] =	sst s8  }
0x11: {  	[smem:$0x3FB7] =	sst s9;
	s0 =	simm.s32 @!p0 $0x0  }
0x12: {  	s1 =	sld [smem:$0x3F9D];
	s0 =	simm.s32 @p0 $0x1  }
0x13: {  	[smem:$0x3FB8] =	sst s0;
	s0 =	simm.s32 @!p1 $0x0  }
0x14: {  	s2 =	sld [smem:$0x3F9C];
	s0 =	simm.s32 @p1 $0x1  }
0x15: {  	[smem:$0x3FB9] =	sst s0;
	s0 =	simm.s32 @!p2 $0x0  }
0x16: {  	s3 =	sld [smem:$0x3FDB];
	s0 =	simm.s32 @p2 $0x1  }
0x17: {  	s4 =	simm.s32 $0x1BF5;
	[smem:$0x3FBB] =	sst s0  }
0x18: {  	s0 =	sld [smem:$0x3F9E];
	_ =	swait.ge [sflag:s4], $0x0  }
0x19: {  	s7 =	sld [smem:$0x3F9F]  }
0x1a: {  	s8 =	sadd.s32 $0xFFFFE003, lr  }
0x1b: {  	s9 =	sadd.s32 $0xFFFFFEF7, lr;
	s5 =	simm.s32 $0xFFFFFFFF;
	p2 =	slt.u32 s8, $0xFFFFF086  }
0x1c: {  	p1 =	slt.u32 s9, $0xF7A;
	s5 =	simm.s32 @!p2 $0x0  }
0x1d: {  	s5 =	simm.s32 @p1 $0x1;
	p0 =	seq.s32 s7, s2  }
0x1e: {  	s7 =	smul.u32 @!p0 $0xF7A, s2;
	p2 =	seq.s32 @!p0 s5, $0x0  }
0x1f: {  	s9 =	smul.u32 $0xF7A, s1;
	s8 =	simm.s32 @!p0 $0x1BF5;
	p2 =	por !p2, p0  }
0x20: {  	[sflag:s8] =	ssyncset.s32 @!p0 $0xFFFFF086;
	s6 =	sadd.s32 @!p0 s3, s7;
	s7 =	simm.s32 @!p0 $0x108  }
0x21: {  	s3 =	sadd.s32 s3, s9;
	s6 =	sadd.s32 @!p0 $0x88, s6;
	s7 =	simm.s32 @p2 $0x1082  }
0x22: {  	[simem:s7], [sflag:s8] =	dma.local @!p0 [hbm:s6], $0xF7A  }
0x23: {  	s9 =	sor.u32 $0xD0000000, s2;
	s6 =	simm.s32 $0x108;
	_ =	swait.ge @!p0 [sflag:s8], $0x0  }
0x24: {  	s3 =	sadd.s32 $0x88, s3;
	s6 =	simm.s32 @!p1 $0x1082;
	[sflag:s4] =	ssyncset.s32 $0xFFFFF086  }
0x25: {  	[simem:s6], [sflag:s4] =	dma.local [hbm:s3], $0xF7A  }
0x26: {  	[smem:$0x3F9F] =	sst s1;
	(tag) =	ssettag s2;
	_ =	strace s9  }
0x27: {  	s1 =	sld [smem:$0x3FAF]  }
0x28: {  	s2 =	sld [smem:$0x3FB0]  }
0x29: {  	s4 =	sld [smem:$0x3FB2]  }
0x2a: {  	p0 =	seq.s32 s5, $0x0;
	s5 =	sld [smem:$0x3FB3]  }
0x2b: {  	s6 =	sld [smem:$0x3FB4]  }
0x2c: {  	s7 =	sld [smem:$0x3FB5]  }
0x2d: {  	s3 =	simm.s32 $0x108;
	s8 =	sld [smem:$0x3FB6]  }
0x2e: {  	s3 =	simm.s32 @!p0 $0x1082;
	s9 =	sld [smem:$0x3FB7]  }
0x2f: {  	lr =	sadd.s32 s0, s3;
	s0 =	sld [smem:$0x3FAE]  }
0x30: {  	s3 =	sld [smem:$0x3FB1]  }
0x31: {  	[smem:$0x3FBA] =	sst s10  }
0x32: {  	s10 =	sld [smem:$0x3FB8];
	_ =	sdelay $0x3  }
0x33: {  	p0 =	seq.s32 s10, $0x1;
	s10 =	sld [smem:$0x3FBA];
	_ =	sdelay $0x3  }
0x34: {  	[smem:$0x3FBA] =	sst s10  }
0x35: {  	s10 =	sld [smem:$0x3FB9];
	_ =	sdelay $0x3  }
0x36: {  	p1 =	seq.s32 s10, $0x1;
	s10 =	sld [smem:$0x3FBA];
	_ =	sdelay $0x3  }
0x37: {  	[smem:$0x3FBA] =	sst s10  }
0x38: {  	s10 =	sld [smem:$0x3FBB]  }
0x39: {  	_ = 	snop;
	(pc) =	sbr.ind lr, $3  }
0x3a: {  	_ = 	snop  }
0x3b: {  	_ = 	snop  }
0x3c: {  	p2 =	seq.s32 s10, $0x1;
	s10 =	sld [smem:$0x3FBA]  }
0x3d: {  	_ =	shalt  }
0x3e: {  	_ =	shalt  }
0x3f: {  	_ =	shalt  }
0x40: {  	_ =	shalt  }
0x41: {  	_ =	shalt  }
0x42: {  	_ =	shalt  }
0x43: {  	_ =	shalt  }
0x44: {  	_ =	shalt  }
0x45: {  	_ =	shalt  }
0x46: {  	_ =	shalt  }
0x47: {  	_ =	shalt  }
0x48: {  	_ =	shalt  }
0x49: {  	_ =	shalt  }
0x4a: {  	_ =	shalt  }
0x4b: {  	_ =	shalt  }
0x4c: {  	_ =	shalt  }
0x4d: {  	_ =	shalt  }
0x4e: {  	_ =	shalt  }
0x4f: {  	_ =	shalt  }
0x50: {  	_ =	shalt  }
0x51: {  	_ =	shalt  }
0x52: {  	_ =	shalt  }
0x53: {  	_ =	shalt  }
0x54: {  	_ =	shalt  }
0x55: {  	_ =	shalt  }
0x56: {  	_ =	shalt  }
0x57: {  	_ =	shalt  }
0x58: {  	_ =	shalt  }
0x59: {  	_ =	shalt  }
0x5a: {  	_ =	shalt  }
0x5b: {  	_ =	shalt  }
0x5c: {  	_ =	shalt  }
0x5d: {  	_ =	shalt  }
0x5e: {  	_ =	shalt  }
0x5f: {  	_ =	shalt  }
0x60: {  	_ =	shalt  }
0x61: {  	_ =	shalt  }
0x62: {  	_ =	shalt  }
0x63: {  	_ =	shalt  }
0x64: {  	_ =	shalt  }
0x65: {  	_ =	shalt  }
0x66: {  	_ =	shalt  }
0x67: {  	_ =	shalt  }
0x68: {  	_ =	shalt  }
0x69: {  	_ =	shalt  }
0x6a: {  	_ =	shalt  }
0x6b: {  	_ =	shalt  }
0x6c: {  	_ =	shalt  }
0x6d: {  	_ =	shalt  }
0x6e: {  	_ =	shalt  }
0x6f: {  	_ =	shalt  }
0x70: {  	_ =	shalt  }
0x71: {  	_ =	shalt  }
0x72: {  	_ =	shalt  }
0x73: {  	_ =	shalt  }
0x74: {  	_ =	shalt  }
0x75: {  	_ =	shalt  }
0x76: {  	_ =	shalt  }
0x77: {  	_ =	shalt  }
0x78: {  	_ =	shalt  }
0x79: {  	_ =	shalt  }
0x7a: {  	_ =	shalt  }
0x7b: {  	_ =	shalt  }
0x7c: {  	_ =	shalt  }
0x7d: {  	_ =	shalt  }
0x7e: {  	_ =	shalt  }
0x7f: {  	_ =	shalt  }
0x80: {  	_ =	shalt  }
0x81: {  	_ =	shalt  }
0x82: {  	_ =	shalt  }
0x83: {  	_ =	shalt  }
0x84: {  	_ =	shalt  }
0x85: {  	_ =	shalt  }
0x86: {  	_ =	shalt  }
0x87: {  	_ =	shalt  }
.Lfunc_end0:
.L_simem_size_0:
called_computation.1_lowered:
.L_overlay_start_0:
0x88: {  	s2 =	sld [smem:$0x3FD9]  }
0x89: {  	s3 =	sld [smem:$0x3FFE];
	_ =	sdelay $0x1  }
0x8a: {  	s1 =	srdreg.scid  }
0x8b: {  	s0 =	sand.u32 $0x1, s1  }
0x8c: {  	s17 =	sshll.u32 s0, $0xA;
	s2 =	sadd.s32 s3, s2  }
0x8d: {  	s2 =	sadd.s32 s2, s17  }
0x8e: {  	[smem:$0x3FC6] =	sst s2  }
0x8f: {  	_ = 	snop  }
0x90: {  	s2 =	sld [smem:$0x3FD0];
	(tm) =	ssettm $0x1  }
0x91: {  	s18 =	sld [smem:$0x3FFB];
	_ =	sdelay $0x3  }
0x92: {  	_ =	strace s18  }
0x93: {  	s3 =	sld [smem:$0x3FFC];
	_ =	sdelay $0x3  }
0x94: {  	_ =	strace s3  }
0x95: {  	s3 =	sld [smem:$0x3FFD];
	_ =	sdelay $0x3  }
0x96: {  	_ =	strace s3  }
0x97: {  	_ =	strace $0x8FFFFFFF  }
0x98: {  	s19 =	sld [smem:$0x3FDB];
	_ =	sdelay $0x1  }
0x99: {  	s4 =	simm.s32 $_scs_section_size  }
0x9a: {  	s5 =	simm.s32 $_size__tile_overlayer_lowered;
	s6 =	simm.s32 $_tile_overlayer_lowered  }
0x9b: {  	s22 =	simm.s32 $0x1BFF;
	s21 =	sshll.u32 s6, $0x1;
	s3 =	sadd.s32 s4, s19  }
0x9c: {  	s7 =	simm.s32 $0x0;
	s20 =	sshll.u32 s5, $0x1;
	s5 =	sadd.s32 s21, s3  }
0x9d: {  	[timem:s7], [sflag:s22] =	dma.local [hbm:s5], s20  }
0x9e: {  	_ =	swait.ge [sflag:s22], s20  }
0x9f: {  	s4 =	ssub.s32 $0x0, s20;
	[sflag:s22] =	ssyncset.done $0x0  }
0xa0: {  	[sflag:s22] =	ssyncadd.s32 s4;
	_ =	sdelay $0x1  }
0xa1: {  	s23 =	simm.s32 $0x1B8B  }
0xa2: {  	_ =	swait.ge [sflag:s23], $0x1  }
0xa3: {  	[sflag:s23] =	ssyncset.done $0x0  }
0xa4: {  	s25 =	simm.s32 $0x1B8E;
	s24 =	sld [smem:$0x3FFE];
	[sflag:s23] =	ssyncadd.s32 $0xFFFFFFFF  }
0xa5: {  	s26 =	simm.s32 $execute0_lowered;
	[smem:$0x3FD2] =	sst s25  }
0xa6: {  	s5 =	sshll.u32 s26, $0x1;
	_ =	strace $0x80000046;
	[dreg:$0x1] =	wrdreg $0xFFFFFFFF  }
0xa7: {  	s28 =	simm.s32 $_size_execute0_lowered;
	s3 =	sadd.s32 s3, s5;
	[dreg:$0x0] =	wrdreg $0x0  }
0xa8: {  	s5 =	sshll.u32 s28, $0x1;
	[dreg:$0x2] =	wrdreg s3  }
0xa9: {  	[dreg:$0x3] =	wrdreg s5  }
0xaa: {  	[dreg:$0x4] =	wrdreg $0xC0  }
0xab: {  	_ =	task [dreg:s7], $0x5FFFF  }
0xac: {  	[dreg:$0x1] =	wrdreg $0xFFFFFFFF  }
0xad: {  	[dreg:$0x0] =	wrdreg $0x60  }
0xae: {  	[dreg:$0x2] =	wrdreg s24  }
0xaf: {  	[dreg:$0x3] =	wrdreg s2  }
0xb0: {  	[dreg:$0x4] =	wrdreg $0x9  }
0xb1: {  	_ =	task.clear_ibuf [dreg:s7], $0x5FFFF;
	_ =	strace $0x90000046  }
0xb2: {  	s29 =	simm.s32 $0x9;
	_ =	strace $0x80000048  }
0xb3: {  	_ =	swait.ge [sflag:s29], $0x1  }
0xb4: {  	[sflag:s29] =	ssyncadd.s32 $0xFFFFFFFF  }
0xb5: {  	_ =	strace $0x90000048  }
0xb6: {  	_ =	sfence  }
0xb7: {  	s30 =	sld [smem:$0x0];
	_ =	sdelay $0x2  }
0xb8: {  	s31 =	sshll.u32 s1, $0xD;
	s1 =	sshrl.u32 s1, $0x2  }
0xb9: {  	s3 =	sand.u32 $0x4000, s31;
	s1 =	sadd.s32 s1, s30  }
0xba: {  	s0 =	sor.u32 s3, s0;
	s1 =	sshll.u32 s1, $0x11  }
0xbb: {  	s0 =	sor.u32 s1, s0  }
0xbc: {  	s0 =	sadd.s32 $0x8F2B, s0  }
0xbd: {  	[sflag:s0] =	ssyncadd.remote.s32 $0x1  }
0xbe: {  	_ =	sfence.sel $0xFFFF  }
0xbf: {  	[dreg:$0x0] =	wrdreg $0xFFFFFFFF;
	(pc) =	sbr.abs _section_cstart, $3  }
0xc0: {  	[dreg:$0x1] =	wrdreg $0xFFFFFFFF  }
0xc1: {  	_ =	task.clear_ibuf [dreg:s7], $0x2FFFF;
	_ =	strace $0x9FFFFFFF  }
0xc2: {  	(tm) =	ssettm $0x7FFFFFFF  }
0xc3: {  	_ =	shalt  }
tec
execute0_lowered:
.L_overlay_start_1:
0x0: {  	(tag) =	ssettag $0x1  }
0x1: {  	s3 =	rddreg [dreg:$0x0]  }
0x2: {  	s11 =	rddreg [dreg:$0x1]  }
0x3: {  	s0 =	rddreg [dreg:$0x2];
	s4 =	srdreg.scid  }
0x4: {  	s2 =	simm.s32 $0x0;
	s1 =	stileid.u32;
	s16 =	simm.s32 $0x400  }
0x5: {  	s17 =	simm.s32 $0x3;
	s18 =	simm.s32 $0x2;
	s19 =	simm.s32 $0x4400  }
0x6: {  	s20 =	simm.s32 $0x4;
	s21 =	simm.s32 $0x5;
	s22 =	simm.s32 $0x6  }
0x7: {  	s23 =	simm.s32 $0x0;
	s12 =	sand.u32 $0x1, s4;
	[smem:$0x7FF] =	sst s2  }
0x8: {  	s29 =	sshll.u32 s1, $0xA;
	s14 =	sadd.s32 $0x800, s3;
	s3 =	sadd.s32 $0xFA6C00, s3  }
0x9: {  	s15 =	sshll.u32 s1, $0xC;
	s5 =	sshll.u32 s12, $0x9;
	s30 =	ssub.s32 $0x2, s12  }
0xa: {  	_ =	strace $0x80000047;
	s13 =	sor.u32 s5, s29;
	s6 =	sshrl.u32 s30, $0x1  }
0xb: {  	s12 =	sshll.u32 s12, $0xB;
	s4 =	sshrl.u32 s13, $0x3;
	s6 =	ssub.s32 s30, s6  }
0xc: {  	s7 =	sor.u32 $0x8000, s13;
	s10 =	sor.u32 $0xC000, s13;
	s8 =	sshll.u32 s13, $0x2  }
0xd: {  	s31 =	sor.u32 $0x14000, s13;
	s13 =	sor.u32 $0x10000, s13;
	s4 =	sadd.s32 s14, s4  }
0xe: {  	s9 =	sshrl.u32 s7, $0x3;
	s6 =	smax.u32 s6, $0x1;
	s7 =	sadd.s32 s11, s8  }
.Ltmp0:
0xf: {  	s10 =	sshrl.u32 s10, $0x3;
	s11 =	sadd.s32 s15, s11;
	(pc) =	sbr.rel .LBB2_1-.Ltmp0, $4  }
0x10: {  	s13 =	sshrl.u32 s13, $0x3;
	s15 =	simm.s32 $0x1;
	s5 =	sadd.s32 $0x800, s4  }
0x11: {  	s8 =	sadd.s32 s14, s9;
	s9 =	sadd.s32 $0x10000, s7;
	s10 =	sadd.s32 s14, s10  }
0x12: {  	s11 =	sadd.s32 s12, s11;
	s12 =	sshrl.u32 s31, $0x3;
	s13 =	sadd.s32 s13, s14  }
0x13: {  	s11 =	sadd.s32 $0x20000, s11;
	s12 =	sadd.s32 s12, s14;
	s14 =	simm.s32 $0x200  }
.LBB2_4:
0x14: {  	s23 =	sadd.s32 $0x1, s23  }
0x15: {  	_ =	swait.ge [sflag:s21], $0x4000;
	p0 =	sne.s32 s23, s6  }
.Ltmp1:
0x16: {  	[sflag:s21] =	ssyncset.done $0x0;
	(pc) =	sbr.rel @!p0 .LBB2_5-.Ltmp1, $4  }
0x17: {  	[sflag:s21] =	ssyncadd.s32 $0xFFFFC000  }
0x18: {  	_ =	swait.ge [sflag:s22], $0x4000  }
0x19: {  	[sflag:s22] =	ssyncset.done $0x0  }
0x1a: {  	[sflag:s22] =	ssyncadd.s32 $0xFFFFC000  }
.LBB2_1:
0x1b: {  	[tilespmem:s2], [sflag:$0x1] =	stream.linear.gather [hbm4b:s4+s2], $0x200, $0x38;
	[tilespmem:$0x8400] =	vst v63  }
0x1c: {  	_ = 	snop  }
0x1d: {  	[tilespmem:s14], [sflag:$0x2] =	stream.linear.gather [hbm4b:s5+s2], $0x200, $0x38;
	[tilespmem:$0x8400] =	vst v63  }
0x1e: {  	_ =	swait.ge [sflag:s15], $0x200  }
0x1f: {  	[sflag:s15] =	ssyncset.done $0x0  }
0x20: {  	[sflag:s15] =	ssyncadd.s32 $0xFFFFFE00  }
0x21: {  	[tilespmem:s16], [sflag:$0x3] =	stream.indirect.gather [hbm4b:s3+s14], $0x20, s2, s14, $0xb8;
	[tilespmem:$0x8400] =	vst v63  }
0x22: {  	_ =	swait.ge [sflag:s17], $0x4000  }
0x23: {  	[sflag:s17] =	ssyncset.done $0x0  }
0x24: {  	[sflag:s17] =	ssyncadd.s32 $0xFFFFC000  }
0x25: {  	[hbm4b:s7+s2] =	stream.linear.scatter [tilespmem:s16], [sflag:$0x5], $0x4000, $0x38;
	[tilespmem:$0x8400] =	vst v63  }
0x26: {  	_ = 	snop  }
0x27: {  	[tilespmem:s2], [sflag:$0x1] =	stream.linear.gather [hbm4b:s8+s2], $0x200, $0x38;
	[tilespmem:$0x8400] =	vst v63  }
0x28: {  	_ =	swait.ge [sflag:s18], $0x200  }
0x29: {  	[sflag:s18] =	ssyncset.done $0x0  }
0x2a: {  	[sflag:s18] =	ssyncadd.s32 $0xFFFFFE00  }
0x2b: {  	[tilespmem:s19], [sflag:$0x4] =	stream.indirect.gather [hbm4b:s3+s14], $0x20, s14, s14, $0xb8;
	[tilespmem:$0x8400] =	vst v63  }
0x2c: {  	_ =	swait.ge [sflag:s20], $0x4000  }
0x2d: {  	[sflag:s20] =	ssyncset.done $0x0  }
0x2e: {  	[sflag:s20] =	ssyncadd.s32 $0xFFFFC000  }
0x2f: {  	[hbm4b:s9+s2] =	stream.linear.scatter [tilespmem:s19], [sflag:$0x6], $0x4000, $0x38;
	[tilespmem:$0x8400] =	vst v63  }
0x30: {  	s24 =	simm.s32 $0x0;
	s25 =	smov.u32 s11  }
0x31: {  	[tilespmem:s14], [sflag:$0x2] =	stream.linear.gather [hbm4b:s10+s2], $0x200, $0x38;
	[tilespmem:$0x8400] =	vst v63  }
.LBB2_2:
0x32: {  	_ =	swait.ge [sflag:s15], $0x200  }
0x33: {  	[sflag:s15] =	ssyncset.done $0x0  }
0x34: {  	[sflag:s15] =	ssyncadd.s32 $0xFFFFFE00  }
0x35: {  	_ =	swait.ge [sflag:s21], $0x4000  }
0x36: {  	[sflag:s21] =	ssyncset.done $0x0  }
0x37: {  	[sflag:s21] =	ssyncadd.s32 $0xFFFFC000  }
0x38: {  	[tilespmem:s16], [sflag:$0x3] =	stream.indirect.gather [hbm4b:s3+s14], $0x20, s2, s14, $0xb8;
	[tilespmem:$0x8400] =	vst v63  }
0x39: {  	_ =	swait.ge [sflag:s17], $0x4000  }
0x3a: {  	[sflag:s17] =	ssyncset.done $0x0  }
0x3b: {  	p0 =	seq.s32 s24, $0x62000;
	[sflag:s17] =	ssyncadd.s32 $0xFFFFC000  }
0x3c: {  	[hbm4b:s25+s2] =	stream.linear.scatter [tilespmem:s16], [sflag:$0x5], $0x4000, $0x38;
	[tilespmem:$0x8400] =	vst v63  }
0x3d: {  	s26 =	sadd.s32 @!p0 s24, s13;
	s28 =	simm.s32 @!p0 $0x0  }
0x3e: {  	[tilespmem:s28], [sflag:$0x1] =	stream.linear.gather @!p0 [hbm4b:s26+s28], $0x200, $0x38;
	[tilespmem:$0x8400] =	vst v63  }
0x3f: {  	_ =	swait.ge [sflag:s18], $0x200  }
0x40: {  	[sflag:s18] =	ssyncset.done $0x0  }
0x41: {  	[sflag:s18] =	ssyncadd.s32 $0xFFFFFE00  }
0x42: {  	_ =	swait.ge [sflag:s22], $0x4000  }
0x43: {  	[sflag:s22] =	ssyncset.done $0x0  }
0x44: {  	[sflag:s22] =	ssyncadd.s32 $0xFFFFC000  }
0x45: {  	[tilespmem:s19], [sflag:$0x4] =	stream.indirect.gather [hbm4b:s3+s14], $0x20, s14, s14, $0xb8;
	[tilespmem:$0x8400] =	vst v63  }
.Ltmp2:
0x46: {  	_ = 	snop;
	(pc) =	sbr.rel @p0 .LBB2_4-.Ltmp2, $4  }
0x47: {  	_ =	swait.ge [sflag:s20], $0x4000  }
0x48: {  	[sflag:s20] =	ssyncset.done $0x0  }
0x49: {  	s31 =	sadd.s32 $0x10000, s25;
	[sflag:s20] =	ssyncadd.s32 $0xFFFFC000  }
0x4a: {  	[hbm4b:s31+s2] =	stream.linear.scatter [tilespmem:s19], [sflag:$0x6], $0x4000, $0x38;
	[tilespmem:$0x8400] =	vst v63  }
.Ltmp3:
0x4b: {  	(pc) =	sbr.rel .LBB2_2-.Ltmp3, $3  }
0x4c: {  	_ =	sdelay $0x1  }
0x4d: {  	s26 =	sadd.s32 s24, s12;
	s25 =	sadd.s32 $0x20000, s25;
	s24 =	sadd.s32 $0x1000, s24  }
0x4e: {  	[tilespmem:s14], [sflag:$0x2] =	stream.linear.gather [hbm4b:s26+s2], $0x200, $0x38;
	[tilespmem:$0x8400] =	vst v63  }
.LBB2_5:
0x4f: {  	_ =	sfence.sel $0x180000  }
0x50: {  	[bflag:$0x0] =	sbarrier.arrive $0xFFFF  }
0x51: {  	p0 =	sne.s32 s1, $0x0;
	_ =	strace $0x90000047  }
0x52: {  	s0 =	sadd.s32 @!p0 $0x100000, s0;
	[bflag:$0x2] =	sbarrier.arrive $0xFFFF  }
0x53: {  	[sflag:s0] =	ssyncadd.tile.s32 @!p0 $0x1;
	_ =	shalt  }
.Lfunc_end2:
_tile_overlayer_lowered:
.L_overlay_start_2:
0x54: {  	(tag) =	ssettag $0x2  }
0x55: {  	s0 =	rddreg [dreg:$0x0];
	s2 =	stileid.u32  }
0x56: {  	s1 =	rddreg [dreg:$0x1];
	p0 =	sne.s32 s2, $0x0  }
0x57: {  	s3 =	rddreg [dreg:$0x2];
	[bflag:$0x3] =	sbarrier.arrive $0xFFFF;
	s2 =	simm.s32 @!p0 $0x1C07  }
0x58: {  	[timem:s3], [sflag:s2] =	dma.local @!p0 [hbm:s0], s1  }
0x59: {  	s0 =	simm.s32 @!p0 $0x7  }
0x5a: {  	_ =	swait.ge @!p0 [sflag:s0], s1  }
0x5b: {  	s1 =	ssub.s32 @!p0 $0x0, s1;
	[sflag:s0] =	ssyncset.done @!p0 $0x0  }
0x5c: {  	[sflag:s0] =	ssyncadd.s32 @!p0 s1  }
0x5d: {  	[bflag:$0x3] =	sbarrier.arrive $0xFFFF  }
0x5e: {  	_ =	shalt  }

// kernel: sparse-core-data-format-call.cloned.1.call-start
scs
called_computation_lowered:
.L_overlay_start_0:
0x0: {  	s2 =	sld [smem:$0x3FD9]  }
0x1: {  	s3 =	sld [smem:$0x3FFE];
	_ =	sdelay $0x1  }
0x2: {  	s1 =	srdreg.scid  }
0x3: {  	s0 =	sand.u32 $0x1, s1  }
0x4: {  	s18 =	sshll.u32 s0, $0xA;
	s2 =	sadd.s32 s3, s2  }
0x5: {  	s2 =	sadd.s32 s2, s18  }
0x6: {  	[smem:$0x3FC6] =	sst s2  }
0x7: {  	_ = 	snop  }
0x8: {  	s2 =	sld [smem:$0x3FD0];
	(tm) =	ssettm $0x1  }
0x9: {  	s19 =	sld [smem:$0x3FFB];
	_ =	sdelay $0x3  }
0xa: {  	_ =	strace s19  }
0xb: {  	s3 =	sld [smem:$0x3FFC];
	_ =	sdelay $0x3  }
0xc: {  	_ =	strace s3  }
0xd: {  	s3 =	sld [smem:$0x3FFD];
	_ =	sdelay $0x3  }
0xe: {  	_ =	strace s3  }
0xf: {  	_ =	strace $0x8FFFFFFF  }
0x10: {  	s20 =	sld [smem:$0x3FDB];
	_ =	sdelay $0x1  }
0x11: {  	s4 =	simm.s32 $_scs_section_size  }
0x12: {  	s5 =	simm.s32 $_size__tile_overlayer_lowered;
	s6 =	simm.s32 $_tile_overlayer_lowered  }
0x13: {  	s23 =	simm.s32 $0x1BFF;
	s22 =	sshll.u32 s6, $0x1;
	s3 =	sadd.s32 s4, s20  }
0x14: {  	s7 =	simm.s32 $0x0;
	s21 =	sshll.u32 s5, $0x1;
	s5 =	sadd.s32 s22, s3  }
0x15: {  	[timem:s7], [sflag:s23] =	dma.local [hbm:s5], s21  }
0x16: {  	_ =	swait.ge [sflag:s23], s21  }
0x17: {  	s4 =	ssub.s32 $0x0, s21;
	[sflag:s23] =	ssyncset.done $0x0  }
0x18: {  	[sflag:s23] =	ssyncadd.s32 s4;
	_ =	sdelay $0x1  }
0x19: {  	s24 =	simm.s32 $0x1B8B  }
0x1a: {  	_ =	swait.ge [sflag:s24], $0x1  }
0x1b: {  	[sflag:s24] =	ssyncset.done $0x0  }
0x1c: {  	s26 =	simm.s32 $0x1B8E;
	s25 =	sld [smem:$0x3FFE];
	[sflag:s24] =	ssyncadd.s32 $0xFFFFFFFF  }
0x1d: {  	s27 =	simm.s32 $execute0_lowered;
	[smem:$0x3FD2] =	sst s26  }
0x1e: {  	s5 =	sshll.u32 s27, $0x1;
	_ =	strace $0x80000049;
	[dreg:$0x1] =	wrdreg $0xFFFFFFFF  }
0x1f: {  	s28 =	simm.s32 $_size_execute0_lowered;
	s3 =	sadd.s32 s3, s5;
	[dreg:$0x0] =	wrdreg $0x0  }
0x20: {  	s5 =	sshll.u32 s28, $0x1;
	[dreg:$0x2] =	wrdreg s3  }
0x21: {  	[dreg:$0x3] =	wrdreg s5  }
0x22: {  	[dreg:$0x4] =	wrdreg $0xC0  }
0x23: {  	_ =	task [dreg:s7], $0x5FFFF  }
0x24: {  	[dreg:$0x1] =	wrdreg $0xFFFFFFFF  }
0x25: {  	[dreg:$0x0] =	wrdreg $0x60  }
0x26: {  	[dreg:$0x2] =	wrdreg s25  }
0x27: {  	[dreg:$0x3] =	wrdreg s2  }
0x28: {  	[dreg:$0x4] =	wrdreg $0x9  }
0x29: {  	_ =	task.clear_ibuf [dreg:s7], $0x5FFFF;
	_ =	strace $0x90000049  }
0x2a: {  	s29 =	simm.s32 $0x9;
	_ =	strace $0x8000004B  }
0x2b: {  	_ =	swait.ge [sflag:s29], $0x1  }
0x2c: {  	[sflag:s29] =	ssyncadd.s32 $0xFFFFFFFF  }
0x2d: {  	_ =	strace $0x9000004B  }
0x2e: {  	_ =	sfence  }
0x2f: {  	s30 =	sld [smem:$0x0];
	_ =	sdelay $0x2  }
0x30: {  	s31 =	sshll.u32 s1, $0xD;
	s1 =	sshrl.u32 s1, $0x2  }
0x31: {  	s3 =	sand.u32 $0x4000, s31;
	s1 =	sadd.s32 s1, s30  }
0x32: {  	s0 =	sor.u32 s3, s0;
	s1 =	sshll.u32 s1, $0x11  }
0x33: {  	s0 =	sor.u32 s1, s0  }
0x34: {  	s0 =	sadd.s32 $0x8F2B, s0  }
0x35: {  	[sflag:s0] =	ssyncadd.remote.s32 $0x1  }
0x36: {  	_ =	sfence.sel $0xFFFF  }
0x37: {  	[dreg:$0x0] =	wrdreg $0xFFFFFFFF;
	(pc) =	sbr.abs _section_cstart, $3  }
0x38: {  	[dreg:$0x1] =	wrdreg $0xFFFFFFFF  }
0x39: {  	_ =	task.clear_ibuf [dreg:s7], $0x2FFFF;
	_ =	strace $0x9FFFFFFF  }
0x3a: {  	(tm) =	ssettm $0x7FFFFFFF  }
0x3b: {  	_ =	shalt  }
tec
execute0_lowered:
.L_overlay_start_1:
0x0: {  	(tag) =	ssettag $0x1  }
0x1: {  	s0 =	srdreg.scid  }
0x2: {  	s1 =	sshll.u32 s0, $0x4  }
0x3: {  	s9 =	rddreg [dreg:$0x0];
	s0 =	stileid.u32;
	s1 =	sand.u32 $0x10, s1  }
0x4: {  	s3 =	rddreg [dreg:$0x1];
	s5 =	simm.s32 $0x1;
	s1 =	sor.u32 s0, s1  }
0x5: {  	s7 =	simm.s32 $0x2;
	s15 =	simm.s32 $0x0;
	s2 =	sshll.u32 s1, $0x7  }
0x6: {  	s11 =	simm.s32 $0x20000;
	s16 =	simm.s32 $0x0;
	s4 =	ssub.s32 $0x4000, s2  }
0x7: {  	s13 =	simm.s32 $0x0;
	s14 =	simm.s32 $0x0;
	s31 =	sand.u32 $0xF80, s4  }
0x8: {  	s8 =	sadd.s32 $0x80800, s9;
	s1 =	rddreg [dreg:$0x2];
	p0 =	sne.s32 s31, $0x0  }
.Ltmp0:
0x9: {  	s6 =	sshrl.u32 s4, $0xC;
	s5 =	simm.s32 @!p0 $0x0;
	(pc) =	sbr.rel .LBB1_1-.Ltmp0, $4  }
0xa: {  	_ =	strace $0x8000004A;
	s4 =	simm.s32 $0x1;
	s5 =	sadd.s32 s5, s6  }
0xb: {  	s12 =	smov.u32 s2;
	[sflag:s4] =	ssyncpa.u1 $0x0;
	s5 =	smul.u32 $0x32, s5  }
0xc: {  	[sflag:s7] =	ssyncpa.u1 $0x0;
	s7 =	sadd.s32 $0x40800, s9;
	p0 =	por $0x0, $0x0  }
0xd: {  	s6 =	sadd.s32 $0x800, s9;
	s9 =	sadd.s32 $0xC0800, s9;
	s10 =	sor.u32 $0x1, s5  }
.LBB1_7:
0xe: {  	s17 =	sadd.s32 $0x1000, s12  }
0xf: {  	s15 =	sadd.s32 $0x4, s13;
	s19 =	smov.u32 s13;
	p2 =	sgt.s32 s17, $0x3FFF  }
0x10: {  	s19 =	smov.u32 @p2 s15  }
0x11: {  	s17 =	smov.u32 @p2 s2;
	p2 =	sgt.s32 s19, $0xC7  }
0x12: {  	s19 =	simm.s32 @p2 $0x0;
	p2 =	sne.s32 s14, s10  }
.Ltmp1:
0x13: {  	p1 =	slt.u32 s14, $0x2;
	(pc) =	sbr.rel @!p2 .LBB1_8-.Ltmp1, $4  }
0x14: {  	s18 =	simm.s32 @!p1 $0x2  }
0x15: {  	s16 =	smov.u32 s13;
	p0 =	por !p0, !p0;
	_ =	swait.ge @!p1 [sflag:s18], $0x4000  }
0x16: {  	s15 =	smov.u32 s12;
	[sflag:s18] =	ssyncset.done @!p1 $0x0;
	s12 =	smov.u32 s17  }
0x17: {  	s14 =	sadd.s32 $0x1, s14;
	[sflag:s18] =	ssyncadd.s32 @!p1 $0xFFFFC000;
	s13 =	smov.u32 s19  }
.LBB1_1:
0x18: {  	p1 =	sge.u32 s14, s5  }
0x19: {  	s17 =	sxor.u32 @!p1 $0xFFFFFFFF, s14  }
0x1a: {  	s18 =	sshll.u32 @!p1 s13, $0x12;
	s19 =	sshll.u32 @!p1 s12, $0x4;
	s21 =	simm.s32 @!p1 $0x20  }
0x1b: {  	s17 =	sshll.u32 @!p1 s17, $0xE;
	s19 =	sand.u32 @!p1 $0x3FFF0, s19;
	s20 =	sadd.s32 @!p1 s6, s18  }
0x1c: {  	s22 =	simm.s32 @!p1 $0x80;
	s17 =	sand.u32 @!p1 $0x4000, s17;
	s20 =	sadd.s32 @!p1 s19, s20  }
0x1d: {  	[tilespmem:s17], [sflag:$0x1] =	stream.strided.gather @!p1 [hbm4b:s20+s21], $0x1000, s22, s21, $0x38;
	[tilespmem:$0x10100] =	vst v63  }
0x1e: {  	s20 =	sadd.s32 @!p1 s18, s7  }
0x1f: {  	s23 =	sor.u32 @!p1 $0x1000, s17;
	s20 =	sadd.s32 @!p1 s19, s20  }
0x20: {  	[tilespmem:s23], [sflag:$0x1] =	stream.strided.gather @!p1 [hbm4b:s20+s21], $0x1000, s22, s21, $0x38;
	[tilespmem:$0x10100] =	vst v63  }
0x21: {  	s20 =	sadd.s32 @!p1 s18, s8  }
0x22: {  	s23 =	sor.u32 @!p1 $0x2000, s17;
	s18 =	sadd.s32 @!p1 s18, s9;
	s20 =	sadd.s32 @!p1 s19, s20  }
0x23: {  	[tilespmem:s23], [sflag:$0x1] =	stream.strided.gather @!p1 [hbm4b:s20+s21], $0x1000, s22, s21, $0x38;
	[tilespmem:$0x10100] =	vst v63  }
0x24: {  	s31 =	sadd.s32 $0xFFFFFFFF, s14;
	s17 =	sor.u32 @!p1 $0x3000, s17;
	s18 =	sadd.s32 @!p1 s19, s18  }
0x25: {  	[tilespmem:s17], [sflag:$0x1] =	stream.strided.gather @!p1 [hbm4b:s18+s21], $0x1000, s22, s21, $0x38;
	[tilespmem:$0x10100] =	vst v63  }
0x26: {  	p1 =	sge.u32 s31, s5  }
.Ltmp2:
0x27: {  	_ = 	snop;
	(pc) =	sbr.rel @p1 .LBB1_7-.Ltmp2, $1  }
0x28: {  	_ =	sdelay $0x3  }
0x29: {  	s17 =	simm.s32 $0x1;
	s19 =	sand.u32 $0x1, s14  }
0x2a: {  	_ =	swait.ge [sflag:s4], $0x4000;
	s17 =	simm.s32 @!p0 $0x0;
	s20 =	smul.u32 $0x10200, s19  }
0x2b: {  	[sflag:s4] =	ssyncset.done $0x0;
	s18 =	smul.u32 $0x10200, s17  }
0x2c: {  	s17 =	sshll.u32 s17, $0xE;
	[sflag:s4] =	ssyncadd.s32 $0xFFFFC000  }
0x2d: {  	s19 =	sor.u32 $0x10, s17;
	s31 =	sshrl.u32 s20, $0x2;
	s18 =	sshrl.u32 s18, $0x2  }
0x2e: {  	s20 =	simm.s32 $0x0;
	s17 =	sor.u32 $0x8000, s31;
	s18 =	sor.u32 $0x8000, s18  }
.LBB1_3:
0x2f: {  	v1 =	vld [tilespmem:s19+$0x0]  }
0x30: {  	v0 =	vld [tilespmem:s19+$0xFFFFFFF0];
	_ =	sdelay $0x2  }
0x31: {  	s23 =	sadd.s32 $0x0, s18  }
0x32: {  	s21 =	simm.s32 $0x4;
	s22 =	sadd.s32 $0x20, s19;
	[tilespmem:s23+$0x810 ss:$0x81] =	vst.msk $0xffff, v1  }
.LBB1_4:
0x33: {  	v1 =	vld [tilespmem:s22+$0x0];
	p1 =	sne.s32 s21, $0x1FC;
	[tilespmem:s23+$0x0 ss:$0x81] =	vst.msk $0xffff, v0;
	s23 =	smov.u32 s21;
	s21 =	sadd.s32 $0x4, s21  }
.Ltmp3:
0x34: {  	v0 =	vld [tilespmem:s22+$0xFFFFFFF0];
	(pc) =	sbr.rel @p1 .LBB1_4-.Ltmp3, $4  }
0x35: {  	_ = 	snop  }
0x36: {  	s23 =	sshra.s32 s23, $0x2  }
0x37: {  	s23 =	sadd.s32 s23, s18  }
0x38: {  	s22 =	sadd.s32 $0x20, s22;
	[tilespmem:s23+$0x810 ss:$0x81] =	vst.msk $0xffff, v1  }
0x39: {  	s20 =	sadd.s32 $0x1, s20  }
0x3a: {  	p1 =	sne.s32 s20, $0x4  }
.Ltmp4:
0x3b: {  	_ = 	snop;
	(pc) =	sbr.rel @p1 .LBB1_3-.Ltmp4, $2  }
0x3c: {  	_ =	sdelay $0x2  }
0x3d: {  	[tilespmem:s23+$0x0 ss:$0x81] =	vst.msk $0xffff, v0;
	s18 =	sadd.s32 $0x1020, s18;
	s19 =	sadd.s32 $0x1000, s19  }
0x3e: {  	s18 =	sshll.u32 s15, $0x3;
	s19 =	sand.u32 $0x78, s15;
	s16 =	sshll.u32 s16, $0x10  }
.Ltmp5:
0x3f: {  	s30 =	sand.u32 $0xF800, s15;
	s18 =	sand.u32 $0x3C00, s18;
	(pc) =	sbr.rel .LBB1_7-.Ltmp5, $4  }
0x40: {  	s31 =	sand.u32 $0x7, s15;
	s16 =	sadd.s32 s3, s16;
	s18 =	sor.u32 s19, s18  }
0x41: {  	s15 =	sshll.u32 s31, $0x12;
	s16 =	sadd.s32 s30, s16;
	s18 =	sshrl.u32 s18, $0x3  }
0x42: {  	s15 =	sor.u32 $0x400, s15;
	s16 =	sadd.s32 s18, s16  }
0x43: {  	[hbm4b:s16+s15] =	stream.strided.scatter [tilespmem:s17], [sflag:$0x2], $0x4000, s11, s15, $0x20;
	[tilespmem:$0x10100] =	vst v63  }
.LBB1_8:
0x44: {  	_ =	sfence.sel $0x180000  }
0x45: {  	s2 =	simm.s32 $0x1;
	[bflag:$0x0] =	sbarrier.arrive $0xFFFF  }
0x46: {  	s31 =	simm.s32 $0x2;
	[sflag:s2] =	ssyncpa.u1 $0x1  }
0x47: {  	[sflag:s31] =	ssyncpa.u1 $0x1  }
0x48: {  	p0 =	sne.s32 s0, $0x0;
	_ =	strace $0x9000004A  }
0x49: {  	s0 =	sadd.s32 @!p0 $0x100000, s1;
	[bflag:$0x2] =	sbarrier.arrive $0xFFFF  }
0x4a: {  	[sflag:s0] =	ssyncadd.tile.s32 @!p0 $0x1;
	_ =	shalt  }
.Lfunc_end1:
_tile_overlayer_lowered:
.L_overlay_start_2:
0x4b: {  	(tag) =	ssettag $0x2  }
0x4c: {  	s0 =	rddreg [dreg:$0x0];
	s2 =	stileid.u32  }
0x4d: {  	s1 =	rddreg [dreg:$0x1];
	p0 =	sne.s32 s2, $0x0  }
0x4e: {  	s3 =	rddreg [dreg:$0x2];
	[bflag:$0x3] =	sbarrier.arrive $0xFFFF;
	s2 =	simm.s32 @!p0 $0x1C01  }
0x4f: {  	[timem:s3], [sflag:s2] =	dma.local @!p0 [hbm:s0], s1  }
0x50: {  	s0 =	simm.s32 @!p0 $0x1  }
0x51: {  	_ =	swait.ge @!p0 [sflag:s0], s1  }
0x52: {  	s1 =	ssub.s32 @!p0 $0x0, s1;
	[sflag:s0] =	ssyncset.done @!p0 $0x0  }
0x53: {  	[sflag:s0] =	ssyncadd.s32 @!p0 s1  }
0x54: {  	[bflag:$0x3] =	sbarrier.arrive $0xFFFF  }
0x55: {  	_ =	shalt  }

</sc_bundles>
